<compile_context>
chip_gen: v7x
topology: tpu7x:2x2x1
jax: 0.10.2.dev20260603
libtpu: 0.0.44.dev20260713+nightly
codegen_flags: <defaults>
</compile_context>

<pallas_src>
import functools

import jax
import jax.numpy as jnp
from jax import lax
from jax.experimental import pallas as pl
from jax.experimental.pallas import tpu as pltpu
from jax.experimental.pallas import tpu_sc as plsc

VOCAB = 1000000
EMBED = 32
BATCH = 4096
SEQ = 200

NC = 2
NS = 16
NW = NC * NS
LANES = 16

B = BATCH * SEQ
B_PER_W = B // NW
CHUNK = 128
NCHUNK = B_PER_W // CHUNK


def _emb_kernel(x_hbm, tok_hbm, pos_hbm, out_hbm, idx_v, tok_v, pos_v, sem):
    wid = lax.axis_index("s") * NC + lax.axis_index("c")

    pltpu.sync_copy(x_hbm.at[wid], idx_v)

    def chunk_body(g, carry):
        idx_row = idx_v.at[g]
        pltpu.async_copy(tok_hbm.at[idx_row], tok_v, sem).wait()
        pltpu.async_copy(pos_hbm.at[idx_row], pos_v, sem).wait()

        def add_body(i, c):
            for j in range(EMBED // LANES):
                sl = pl.ds(j * LANES, LANES)
                tok_v[i, sl] = tok_v[i, sl] + pos_v[i, sl]
            return c

        lax.fori_loop(0, CHUNK, add_body, 0, unroll=2)
        pltpu.sync_copy(tok_v, out_hbm.at[wid, g])
        return carry

    lax.fori_loop(0, NCHUNK, chunk_body, 0)


@jax.jit
def _emb(xr, token_table, pos_table):
    mesh = plsc.VectorSubcoreMesh(core_axis_name="c", subcore_axis_name="s")
    f = functools.partial(
        pl.kernel,
        mesh=mesh,
        out_type=jax.ShapeDtypeStruct((NW, NCHUNK, CHUNK, EMBED), jnp.float32),
        scratch_types=[
            pltpu.VMEM((NCHUNK, CHUNK), jnp.int32),
            pltpu.VMEM((CHUNK, EMBED), jnp.float32),
            pltpu.VMEM((CHUNK, EMBED), jnp.float32),
            pltpu.SemaphoreType.DMA,
        ],
        compiler_params=pltpu.CompilerParams(use_tc_tiling_on_sc=False),
    )(_emb_kernel)
    return f(xr, token_table, pos_table)


def kernel(x, token_table, pos_table):
    xr = x.reshape(NW, NCHUNK, CHUNK)
    out = _emb(xr, token_table, pos_table)
    return out.reshape(BATCH, SEQ, EMBED)

# --- scband reference (transcript-rebuilt; emitter-appended) ---
"""Pipeline reference for scband-tbertembedding-11854109737496 (READ-ONLY COPY).

The authoritative reference and input builder live on the scoring server;
editing this copy changes nothing except your own understanding.
"""

import jax, jax.numpy as jnp
import numpy as np

VOCAB = 1000000
EMBED = 32
BATCH = 4096
SEQ = 200

def setup_inputs(seed: int = 0) -> dict:
    key = jax.random.key(seed)
    k1, k2, k3 = jax.random.split(key, 3)
    x = jax.random.randint(k1, (BATCH, SEQ), 0, VOCAB, dtype=jnp.int32)
    token_table = jax.random.normal(k2, (VOCAB, EMBED), dtype=jnp.float32) * 0.02
    token_table = token_table.at[0].set(0.0)  # padding_idx=0
    pos_table = jax.random.normal(k3, (VOCAB, EMBED), dtype=jnp.float32) * 0.02
    return {"x": x, "token_table": token_table, "pos_table": pos_table}

def reference(x, token_table, pos_table):
    # token_embed = self.token_embed(x)
    token_embed = jnp.take(token_table, x, axis=0)
    # pos_embed = self.encoding_layer(x)  (encoding_layer is an nn.Embedding)
    pos_embed = jnp.take(pos_table, x, axis=0)
    return token_embed + pos_embed

if __name__ == "__main__":
    import jax
    _d = setup_inputs()
    print(jax.jit(kernel)(*tuple(_d.values())))

</pallas_src>

<mosaic_0001>
#map = affine_map<(d0, d1) -> (0, 0, 0)>
#map1 = affine_map<(d0, d1) -> (0, 0)>
#map2 = affine_map<(d0, d1) -> (0, 0, 0, 0)>
module attributes {stable_mosaic.version = 14 : i64} {
  func.func @_emb_kernel(%arg0: i32, %arg1: i32, %arg2: memref<32x200x128xi32, #tpu.memory_space<hbm>>, %arg3: memref<1000000x32xf32, #tpu.memory_space<hbm>>, %arg4: memref<1000000x32xf32, #tpu.memory_space<hbm>>, %arg5: memref<32x200x128x32xf32, #tpu.memory_space<hbm>>, %arg6: memref<200x128xi32, #tpu.memory_space<vmem>>, %arg7: memref<128x32xf32, #tpu.memory_space<vmem>>, %arg8: memref<128x32xf32, #tpu.memory_space<vmem>>, %arg9: memref<!tpu.dma_semaphore, #tpu.memory_space<semaphore_mem>>) attributes {dimension_semantics = [#tpu.dimension_semantics<core_parallel>, #tpu.dimension_semantics<subcore_parallel>], iteration_bounds = array<i64: 2, 16>, scalar_prefetch = 0 : i64, scratch_operands = 4 : i64, tpu.core_type = #tpu.core_type<sc_vector_subcore>, window_params = [{transform_indices = #map}, {transform_indices = #map1}, {transform_indices = #map1}, {transform_indices = #map2}]} {
    %mul3A = arith.constant 2 : i32
    %mul3A_0 = arith.muli %arg1, %mul3A : i32
    %add3A = arith.addi %mul3A_0, %arg0 : i32
    "tpu.region"() ({
      %run_scoped3A = tpu.sem_alloc : memref<!tpu.dma_semaphore, #tpu.memory_space<semaphore_mem>>
      %dma_start3A = arith.constant 0 : i32
      %dma_start3A_6 = arith.constant 0 : i32
      %dma_start3A_7 = tpu.memref_slice %arg2[%add3A, %dma_start3A, %dma_start3A_6] : memref<32x200x128xi32, #tpu.memory_space<hbm>> -> memref<1x200x128xi32, #tpu.memory_space<hbm>>
      %dma_start3A_8 = tpu.memref_squeeze %dma_start3A_7 : memref<1x200x128xi32, #tpu.memory_space<hbm>> -> memref<200x128xi32, #tpu.memory_space<hbm>>
      %dma_start3A_9 = arith.constant 0 : i32
      %dma_start3A_10 = arith.constant 0 : i32
      %dma_start3A_11 = tpu.memref_slice %arg2[%add3A, %dma_start3A_9, %dma_start3A_10] : memref<32x200x128xi32, #tpu.memory_space<hbm>> -> memref<1x200x128xi32, #tpu.memory_space<hbm>>
      %dma_start3A_12 = tpu.memref_squeeze %dma_start3A_11 : memref<1x200x128xi32, #tpu.memory_space<hbm>> -> memref<200x128xi32, #tpu.memory_space<hbm>>
      tpu.enqueue_dma source(%dma_start3A_12 : memref<200x128xi32, #tpu.memory_space<hbm>>) target(%arg6 : memref<200x128xi32, #tpu.memory_space<vmem>>) target_semaphore(%run_scoped3A : memref<!tpu.dma_semaphore, #tpu.memory_space<semaphore_mem>>)
      %dma_wait3A = arith.constant 0 : i32
      %dma_wait3A_13 = arith.constant 0 : i32
      %dma_wait3A_14 = tpu.memref_slice %arg2[%add3A, %dma_wait3A, %dma_wait3A_13] : memref<32x200x128xi32, #tpu.memory_space<hbm>> -> memref<1x200x128xi32, #tpu.memory_space<hbm>>
      %dma_wait3A_15 = tpu.memref_squeeze %dma_wait3A_14 : memref<1x200x128xi32, #tpu.memory_space<hbm>> -> memref<200x128xi32, #tpu.memory_space<hbm>>
      %dma_wait3A_16 = arith.constant 0 : i32
      %dma_wait3A_17 = arith.constant 0 : i32
      %dma_wait3A_18 = tpu.memref_slice %arg2[%add3A, %dma_wait3A_16, %dma_wait3A_17] : memref<32x200x128xi32, #tpu.memory_space<hbm>> -> memref<1x200x128xi32, #tpu.memory_space<hbm>>
      %dma_wait3A_19 = tpu.memref_squeeze %dma_wait3A_18 : memref<1x200x128xi32, #tpu.memory_space<hbm>> -> memref<200x128xi32, #tpu.memory_space<hbm>>
      tpu.wait_dma2 semaphore(%run_scoped3A : memref<!tpu.dma_semaphore, #tpu.memory_space<semaphore_mem>>) src(%dma_wait3A_19 : memref<200x128xi32, #tpu.memory_space<hbm>>) dst(%arg6 : memref<200x128xi32, #tpu.memory_space<vmem>>)
      tpu.yield
    }) : () -> ()
    %scan3A = arith.constant 0 : i32
    %scan3A_1 = arith.constant 0 : i32
    %scan3A_2 = arith.constant 200 : i32
    %scan3A_3 = arith.addi %scan3A_1, %scan3A_2 : i32
    %scan3A_4 = arith.constant 1 : i32
    scf.for %scan3A_6 = %scan3A_1 to %scan3A_3 step %scan3A_4  : i32 {
      %dma_start3A = arith.constant 0 : i32
      %dma_start3A_7 = tpu.memref_slice %arg6[%scan3A_6, %dma_start3A] : memref<200x128xi32, #tpu.memory_space<vmem>> -> memref<1x128xi32, #tpu.memory_space<vmem>>
      %dma_start3A_8 = tpu.memref_squeeze %dma_start3A_7 : memref<1x128xi32, #tpu.memory_space<vmem>> -> memref<128xi32, #tpu.memory_space<vmem>>
      %dma_start3A_9 = arith.constant 0 : i32
      %dma_start3A_10 = arith.constant 0 : i32
      %dma_start3A_11 = tpu.memref_slice %arg3[%dma_start3A_9, %dma_start3A_10] : memref<1000000x32xf32, #tpu.memory_space<hbm>> -> memref<1000000x32xf32, #tpu.memory_space<hbm>>
      tpu.enqueue_indirect_dma source(%dma_start3A_11 : memref<1000000x32xf32, #tpu.memory_space<hbm>>) target(%arg7 : memref<128x32xf32, #tpu.memory_space<vmem>>) offsets(%dma_start3A_8 : memref<128xi32, #tpu.memory_space<vmem>>) semaphore(%arg9 : memref<!tpu.dma_semaphore, #tpu.memory_space<semaphore_mem>>)
      %dma_wait3A = arith.constant 0 : i32
      %dma_wait3A_12 = tpu.memref_slice %arg6[%scan3A_6, %dma_wait3A] : memref<200x128xi32, #tpu.memory_space<vmem>> -> memref<1x128xi32, #tpu.memory_space<vmem>>
      %dma_wait3A_13 = tpu.memref_squeeze %dma_wait3A_12 : memref<1x128xi32, #tpu.memory_space<vmem>> -> memref<128xi32, #tpu.memory_space<vmem>>
      %dma_wait3A_14 = arith.constant 0 : i32
      %dma_wait3A_15 = arith.constant 0 : i32
      %dma_wait3A_16 = tpu.memref_slice %arg3[%dma_wait3A_14, %dma_wait3A_15] : memref<1000000x32xf32, #tpu.memory_space<hbm>> -> memref<1000000x32xf32, #tpu.memory_space<hbm>>
      tpu.wait_indirect_dma semaphore(%arg9 : memref<!tpu.dma_semaphore, #tpu.memory_space<semaphore_mem>>) src(%dma_wait3A_16 : memref<1000000x32xf32, #tpu.memory_space<hbm>>) dst(%arg7 : memref<128x32xf32, #tpu.memory_space<vmem>>)
      %dma_start3A_17 = arith.constant 0 : i32
      %dma_start3A_18 = tpu.memref_slice %arg6[%scan3A_6, %dma_start3A_17] : memref<200x128xi32, #tpu.memory_space<vmem>> -> memref<1x128xi32, #tpu.memory_space<vmem>>
      %dma_start3A_19 = tpu.memref_squeeze %dma_start3A_18 : memref<1x128xi32, #tpu.memory_space<vmem>> -> memref<128xi32, #tpu.memory_space<vmem>>
      %dma_start3A_20 = arith.constant 0 : i32
      %dma_start3A_21 = arith.constant 0 : i32
      %dma_start3A_22 = tpu.memref_slice %arg4[%dma_start3A_20, %dma_start3A_21] : memref<1000000x32xf32, #tpu.memory_space<hbm>> -> memref<1000000x32xf32, #tpu.memory_space<hbm>>
      tpu.enqueue_indirect_dma source(%dma_start3A_22 : memref<1000000x32xf32, #tpu.memory_space<hbm>>) target(%arg8 : memref<128x32xf32, #tpu.memory_space<vmem>>) offsets(%dma_start3A_19 : memref<128xi32, #tpu.memory_space<vmem>>) semaphore(%arg9 : memref<!tpu.dma_semaphore, #tpu.memory_space<semaphore_mem>>)
      %dma_wait3A_23 = arith.constant 0 : i32
      %dma_wait3A_24 = tpu.memref_slice %arg6[%scan3A_6, %dma_wait3A_23] : memref<200x128xi32, #tpu.memory_space<vmem>> -> memref<1x128xi32, #tpu.memory_space<vmem>>
      %dma_wait3A_25 = tpu.memref_squeeze %dma_wait3A_24 : memref<1x128xi32, #tpu.memory_space<vmem>> -> memref<128xi32, #tpu.memory_space<vmem>>
      %dma_wait3A_26 = arith.constant 0 : i32
      %dma_wait3A_27 = arith.constant 0 : i32
      %dma_wait3A_28 = tpu.memref_slice %arg4[%dma_wait3A_26, %dma_wait3A_27] : memref<1000000x32xf32, #tpu.memory_space<hbm>> -> memref<1000000x32xf32, #tpu.memory_space<hbm>>
      tpu.wait_indirect_dma semaphore(%arg9 : memref<!tpu.dma_semaphore, #tpu.memory_space<semaphore_mem>>) src(%dma_wait3A_28 : memref<1000000x32xf32, #tpu.memory_space<hbm>>) dst(%arg8 : memref<128x32xf32, #tpu.memory_space<vmem>>)
      %scan3A_29 = arith.constant 0 : i32
      %scan3A_30 = arith.constant 0 : i32
      %scan3A_31 = arith.constant 128 : i32
      %scan3A_32 = arith.addi %scan3A_30, %scan3A_31 : i32
      %scan3A_33 = arith.constant 2 : i32
      scf.for %scan3A_35 = %scan3A_30 to %scan3A_32 step %scan3A_33  : i32 {
        %get3A = arith.index_cast %scan3A_35 : i32 to index
        %get3A_36 = arith.constant 0 : index
        %get3A_37 = tpu.vector_load %arg7[%get3A, %get3A_36] {strides = array<i32>} : memref<128x32xf32, #tpu.memory_space<vmem>>, vector<1x16xf32>,
        %get3A_38 = vector.shape_cast %get3A_37 : vector<1x16xf32> to vector<16xf32>
        %get3A_39 = arith.index_cast %scan3A_35 : i32 to index
        %get3A_40 = arith.constant 0 : index
        %get3A_41 = tpu.vector_load %arg8[%get3A_39, %get3A_40] {strides = array<i32>} : memref<128x32xf32, #tpu.memory_space<vmem>>, vector<1x16xf32>,
        %get3A_42 = vector.shape_cast %get3A_41 : vector<1x16xf32> to vector<16xf32>
        %add3A_43 = arith.addf %get3A_38, %get3A_42 : vector<16xf32>
        %swap3A = arith.index_cast %scan3A_35 : i32 to index
        %swap3A_44 = arith.constant 0 : index
        %swap3A_45 = tpu.vector_load %arg7[%swap3A, %swap3A_44] {strides = array<i32>} : memref<128x32xf32, #tpu.memory_space<vmem>>, vector<1x16xf32>,
        %swap3A_46 = vector.shape_cast %swap3A_45 : vector<1x16xf32> to vector<16xf32>
        %swap3A_47 = vector.shape_cast %add3A_43 : vector<16xf32> to vector<1x16xf32>
        tpu.vector_store %arg7[%swap3A, %swap3A_44], %swap3A_47 {strides = array<i32>} : memref<128x32xf32, #tpu.memory_space<vmem>>, vector<1x16xf32>,
        %get3A_48 = arith.index_cast %scan3A_35 : i32 to index
        %get3A_49 = arith.constant 16 : index
        %get3A_50 = tpu.vector_load %arg7[%get3A_48, %get3A_49] {strides = array<i32>} : memref<128x32xf32, #tpu.memory_space<vmem>>, vector<1x16xf32>,
        %get3A_51 = vector.shape_cast %get3A_50 : vector<1x16xf32> to vector<16xf32>
        %get3A_52 = arith.index_cast %scan3A_35 : i32 to index
        %get3A_53 = arith.constant 16 : index
        %get3A_54 = tpu.vector_load %arg8[%get3A_52, %get3A_53] {strides = array<i32>} : memref<128x32xf32, #tpu.memory_space<vmem>>, vector<1x16xf32>,
        %get3A_55 = vector.shape_cast %get3A_54 : vector<1x16xf32> to vector<16xf32>
        %add3A_56 = arith.addf %get3A_51, %get3A_55 : vector<16xf32>
        %swap3A_57 = arith.index_cast %scan3A_35 : i32 to index
        %swap3A_58 = arith.constant 16 : index
        %swap3A_59 = tpu.vector_load %arg7[%swap3A_57, %swap3A_58] {strides = array<i32>} : memref<128x32xf32, #tpu.memory_space<vmem>>, vector<1x16xf32>,
        %swap3A_60 = vector.shape_cast %swap3A_59 : vector<1x16xf32> to vector<16xf32>
        %swap3A_61 = vector.shape_cast %add3A_56 : vector<16xf32> to vector<1x16xf32>
        tpu.vector_store %arg7[%swap3A_57, %swap3A_58], %swap3A_61 {strides = array<i32>} : memref<128x32xf32, #tpu.memory_space<vmem>>, vector<1x16xf32>,
        %scan3A_62 = arith.constant 1 : i32
        %scan3A_63 = arith.addi %scan3A_35, %scan3A_62 : i32
        %get3A_64 = arith.index_cast %scan3A_63 : i32 to index
        %get3A_65 = arith.constant 0 : index
        %get3A_66 = tpu.vector_load %arg7[%get3A_64, %get3A_65] {strides = array<i32>} : memref<128x32xf32, #tpu.memory_space<vmem>>, vector<1x16xf32>,
        %get3A_67 = vector.shape_cast %get3A_66 : vector<1x16xf32> to vector<16xf32>
        %get3A_68 = arith.index_cast %scan3A_63 : i32 to index
        %get3A_69 = arith.constant 0 : index
        %get3A_70 = tpu.vector_load %arg8[%get3A_68, %get3A_69] {strides = array<i32>} : memref<128x32xf32, #tpu.memory_space<vmem>>, vector<1x16xf32>,
        %get3A_71 = vector.shape_cast %get3A_70 : vector<1x16xf32> to vector<16xf32>
        %add3A_72 = arith.addf %get3A_67, %get3A_71 : vector<16xf32>
        %swap3A_73 = arith.index_cast %scan3A_63 : i32 to index
        %swap3A_74 = arith.constant 0 : index
        %swap3A_75 = tpu.vector_load %arg7[%swap3A_73, %swap3A_74] {strides = array<i32>} : memref<128x32xf32, #tpu.memory_space<vmem>>, vector<1x16xf32>,
        %swap3A_76 = vector.shape_cast %swap3A_75 : vector<1x16xf32> to vector<16xf32>
        %swap3A_77 = vector.shape_cast %add3A_72 : vector<16xf32> to vector<1x16xf32>
        tpu.vector_store %arg7[%swap3A_73, %swap3A_74], %swap3A_77 {strides = array<i32>} : memref<128x32xf32, #tpu.memory_space<vmem>>, vector<1x16xf32>,
        %get3A_78 = arith.index_cast %scan3A_63 : i32 to index
        %get3A_79 = arith.constant 16 : index
        %get3A_80 = tpu.vector_load %arg7[%get3A_78, %get3A_79] {strides = array<i32>} : memref<128x32xf32, #tpu.memory_space<vmem>>, vector<1x16xf32>,
        %get3A_81 = vector.shape_cast %get3A_80 : vector<1x16xf32> to vector<16xf32>
        %get3A_82 = arith.index_cast %scan3A_63 : i32 to index
        %get3A_83 = arith.constant 16 : index
        %get3A_84 = tpu.vector_load %arg8[%get3A_82, %get3A_83] {strides = array<i32>} : memref<128x32xf32, #tpu.memory_space<vmem>>, vector<1x16xf32>,
        %get3A_85 = vector.shape_cast %get3A_84 : vector<1x16xf32> to vector<16xf32>
        %add3A_86 = arith.addf %get3A_81, %get3A_85 : vector<16xf32>
        %swap3A_87 = arith.index_cast %scan3A_63 : i32 to index
        %swap3A_88 = arith.constant 16 : index
        %swap3A_89 = tpu.vector_load %arg7[%swap3A_87, %swap3A_88] {strides = array<i32>} : memref<128x32xf32, #tpu.memory_space<vmem>>, vector<1x16xf32>,
        %swap3A_90 = vector.shape_cast %swap3A_89 : vector<1x16xf32> to vector<16xf32>
        %swap3A_91 = vector.shape_cast %add3A_86 : vector<16xf32> to vector<1x16xf32>
        tpu.vector_store %arg7[%swap3A_87, %swap3A_88], %swap3A_91 {strides = array<i32>} : memref<128x32xf32, #tpu.memory_space<vmem>>, vector<1x16xf32>,
      }
      %scan3A_34 = arith.constant 128 : i32
      "tpu.region"() ({
        %run_scoped3A = tpu.sem_alloc : memref<!tpu.dma_semaphore, #tpu.memory_space<semaphore_mem>>
        %dma_start3A_35 = arith.constant 0 : i32
        %dma_start3A_36 = arith.constant 0 : i32
        %dma_start3A_37 = tpu.memref_slice %arg5[%add3A, %scan3A_6, %dma_start3A_35, %dma_start3A_36] : memref<32x200x128x32xf32, #tpu.memory_space<hbm>> -> memref<1x1x128x32xf32, #tpu.memory_space<hbm>>
        %dma_start3A_38 = tpu.memref_squeeze %dma_start3A_37 : memref<1x1x128x32xf32, #tpu.memory_space<hbm>> -> memref<128x32xf32, #tpu.memory_space<hbm>>
        %dma_start3A_39 = arith.constant 0 : i32
        %dma_start3A_40 = arith.constant 0 : i32
        %dma_start3A_41 = tpu.memref_slice %arg5[%add3A, %scan3A_6, %dma_start3A_39, %dma_start3A_40] : memref<32x200x128x32xf32, #tpu.memory_space<hbm>> -> memref<1x1x128x32xf32, #tpu.memory_space<hbm>>
        %dma_start3A_42 = tpu.memref_squeeze %dma_start3A_41 : memref<1x1x128x32xf32, #tpu.memory_space<hbm>> -> memref<128x32xf32, #tpu.memory_space<hbm>>
        tpu.enqueue_dma source(%arg7 : memref<128x32xf32, #tpu.memory_space<vmem>>) target(%dma_start3A_42 : memref<128x32xf32, #tpu.memory_space<hbm>>) target_semaphore(%run_scoped3A : memref<!tpu.dma_semaphore, #tpu.memory_space<semaphore_mem>>)
        %dma_wait3A_43 = arith.constant 0 : i32
        %dma_wait3A_44 = arith.constant 0 : i32
        %dma_wait3A_45 = tpu.memref_slice %arg5[%add3A, %scan3A_6, %dma_wait3A_43, %dma_wait3A_44] : memref<32x200x128x32xf32, #tpu.memory_space<hbm>> -> memref<1x1x128x32xf32, #tpu.memory_space<hbm>>
        %dma_wait3A_46 = tpu.memref_squeeze %dma_wait3A_45 : memref<1x1x128x32xf32, #tpu.memory_space<hbm>> -> memref<128x32xf32, #tpu.memory_space<hbm>>
        %dma_wait3A_47 = arith.constant 0 : i32
        %dma_wait3A_48 = arith.constant 0 : i32
        %dma_wait3A_49 = tpu.memref_slice %arg5[%add3A, %scan3A_6, %dma_wait3A_47, %dma_wait3A_48] : memref<32x200x128x32xf32, #tpu.memory_space<hbm>> -> memref<1x1x128x32xf32, #tpu.memory_space<hbm>>
        %dma_wait3A_50 = tpu.memref_squeeze %dma_wait3A_49 : memref<1x1x128x32xf32, #tpu.memory_space<hbm>> -> memref<128x32xf32, #tpu.memory_space<hbm>>
        tpu.wait_dma2 semaphore(%run_scoped3A : memref<!tpu.dma_semaphore, #tpu.memory_space<semaphore_mem>>) src(%arg7 : memref<128x32xf32, #tpu.memory_space<vmem>>) dst(%dma_wait3A_50 : memref<128x32xf32, #tpu.memory_space<hbm>>)
        tpu.yield
      }) : () -> ()
    }
    %scan3A_5 = arith.constant 200 : i32
    return
  }
}

</mosaic_0001>

<sc_bundles>
// kernel: _emb.3.cloned.1.call-start
scs
__scs_entry_jumppad:
0x0: {  	(pc) =	sbr.rel $0x88, $3  }
0x1: {  	(tag) =	ssettag $0x0;
	lr =	simm.s32 $0x1  }
0x2: {  	[smem:$0x3F9E] =	sst lr;
	_ =	strace $0xD0000000  }
0x3: {  	_ = 	snop  }
0x4: {  	_ = 	snop  }
0x5: {  	_ = 	snop  }
0x6: {  	_ = 	snop  }
0x7: {  	_ = 	snop  }
__scs_overlays_trampoline_lowered:
0x8: {  	[smem:$0x3FAD] =	sst s0  }
0x9: {  	[smem:$0x3FAE] =	sst s1  }
0xa: {  	[smem:$0x3FAF] =	sst s2  }
0xb: {  	[smem:$0x3FB0] =	sst s3  }
0xc: {  	[smem:$0x3FB1] =	sst s4  }
0xd: {  	[smem:$0x3FB2] =	sst s5  }
0xe: {  	[smem:$0x3FB3] =	sst s6  }
0xf: {  	[smem:$0x3FB4] =	sst s7  }
0x10: {  	[smem:$0x3FB5] =	sst s8  }
0x11: {  	[smem:$0x3FB6] =	sst s9;
	s0 =	simm.s32 @!p0 $0x0  }
0x12: {  	s1 =	sld [smem:$0x3F9C];
	s0 =	simm.s32 @p0 $0x1  }
0x13: {  	[smem:$0x3FB7] =	sst s0;
	s0 =	simm.s32 @!p1 $0x0  }
0x14: {  	s2 =	sld [smem:$0x3F9B];
	s0 =	simm.s32 @p1 $0x1  }
0x15: {  	[smem:$0x3FB8] =	sst s0;
	s0 =	simm.s32 @!p2 $0x0  }
0x16: {  	s3 =	sld [smem:$0x3FDB];
	s0 =	simm.s32 @p2 $0x1  }
0x17: {  	s4 =	simm.s32 $0x1BF5;
	[smem:$0x3FBA] =	sst s0  }
0x18: {  	s0 =	sld [smem:$0x3F9D];
	_ =	swait.ge [sflag:s4], $0x0  }
0x19: {  	s7 =	sld [smem:$0x3F9E]  }
0x1a: {  	s8 =	sadd.s32 $0xFFFFE003, lr  }
0x1b: {  	s9 =	sadd.s32 $0xFFFFFEF7, lr;
	s5 =	simm.s32 $0xFFFFFFFF;
	p2 =	slt.u32 s8, $0xFFFFF086  }
0x1c: {  	p1 =	slt.u32 s9, $0xF7A;
	s5 =	simm.s32 @!p2 $0x0  }
0x1d: {  	s5 =	simm.s32 @p1 $0x1;
	p0 =	seq.s32 s7, s2  }
0x1e: {  	s7 =	smul.u32 @!p0 $0xF7A, s2;
	p2 =	seq.s32 @!p0 s5, $0x0  }
0x1f: {  	s9 =	smul.u32 $0xF7A, s1;
	s8 =	simm.s32 @!p0 $0x1BF5;
	p2 =	por !p2, p0  }
0x20: {  	[sflag:s8] =	ssyncset.s32 @!p0 $0xFFFFF086;
	s6 =	sadd.s32 @!p0 s3, s7;
	s7 =	simm.s32 @!p0 $0x108  }
0x21: {  	s3 =	sadd.s32 s3, s9;
	s6 =	sadd.s32 @!p0 $0x88, s6;
	s7 =	simm.s32 @p2 $0x1082  }
0x22: {  	[simem:s7], [sflag:s8] =	dma.local @!p0 [hbm:s6], $0xF7A  }
0x23: {  	s9 =	sor.u32 $0xD0000000, s2;
	s6 =	simm.s32 $0x108;
	_ =	swait.ge @!p0 [sflag:s8], $0x0  }
0x24: {  	s3 =	sadd.s32 $0x88, s3;
	s6 =	simm.s32 @!p1 $0x1082;
	[sflag:s4] =	ssyncset.s32 $0xFFFFF086  }
0x25: {  	[simem:s6], [sflag:s4] =	dma.local [hbm:s3], $0xF7A  }
0x26: {  	[smem:$0x3F9E] =	sst s1;
	(tag) =	ssettag s2;
	_ =	strace s9  }
0x27: {  	s1 =	sld [smem:$0x3FAE]  }
0x28: {  	s2 =	sld [smem:$0x3FAF]  }
0x29: {  	s4 =	sld [smem:$0x3FB1]  }
0x2a: {  	p0 =	seq.s32 s5, $0x0;
	s5 =	sld [smem:$0x3FB2]  }
0x2b: {  	s6 =	sld [smem:$0x3FB3]  }
0x2c: {  	s7 =	sld [smem:$0x3FB4]  }
0x2d: {  	s3 =	simm.s32 $0x108;
	s8 =	sld [smem:$0x3FB5]  }
0x2e: {  	s3 =	simm.s32 @!p0 $0x1082;
	s9 =	sld [smem:$0x3FB6]  }
0x2f: {  	lr =	sadd.s32 s0, s3;
	s0 =	sld [smem:$0x3FAD]  }
0x30: {  	s3 =	sld [smem:$0x3FB0]  }
0x31: {  	[smem:$0x3FB9] =	sst s10  }
0x32: {  	s10 =	sld [smem:$0x3FB7];
	_ =	sdelay $0x3  }
0x33: {  	p0 =	seq.s32 s10, $0x1;
	s10 =	sld [smem:$0x3FB9];
	_ =	sdelay $0x3  }
0x34: {  	[smem:$0x3FB9] =	sst s10  }
0x35: {  	s10 =	sld [smem:$0x3FB8];
	_ =	sdelay $0x3  }
0x36: {  	p1 =	seq.s32 s10, $0x1;
	s10 =	sld [smem:$0x3FB9];
	_ =	sdelay $0x3  }
0x37: {  	[smem:$0x3FB9] =	sst s10  }
0x38: {  	s10 =	sld [smem:$0x3FBA]  }
0x39: {  	_ = 	snop;
	(pc) =	sbr.ind lr, $3  }
0x3a: {  	_ = 	snop  }
0x3b: {  	_ = 	snop  }
0x3c: {  	p2 =	seq.s32 s10, $0x1;
	s10 =	sld [smem:$0x3FB9]  }
0x3d: {  	_ =	shalt  }
0x3e: {  	_ =	shalt  }
0x3f: {  	_ =	shalt  }
0x40: {  	_ =	shalt  }
0x41: {  	_ =	shalt  }
0x42: {  	_ =	shalt  }
0x43: {  	_ =	shalt  }
0x44: {  	_ =	shalt  }
0x45: {  	_ =	shalt  }
0x46: {  	_ =	shalt  }
0x47: {  	_ =	shalt  }
0x48: {  	_ =	shalt  }
0x49: {  	_ =	shalt  }
0x4a: {  	_ =	shalt  }
0x4b: {  	_ =	shalt  }
0x4c: {  	_ =	shalt  }
0x4d: {  	_ =	shalt  }
0x4e: {  	_ =	shalt  }
0x4f: {  	_ =	shalt  }
0x50: {  	_ =	shalt  }
0x51: {  	_ =	shalt  }
0x52: {  	_ =	shalt  }
0x53: {  	_ =	shalt  }
0x54: {  	_ =	shalt  }
0x55: {  	_ =	shalt  }
0x56: {  	_ =	shalt  }
0x57: {  	_ =	shalt  }
0x58: {  	_ =	shalt  }
0x59: {  	_ =	shalt  }
0x5a: {  	_ =	shalt  }
0x5b: {  	_ =	shalt  }
0x5c: {  	_ =	shalt  }
0x5d: {  	_ =	shalt  }
0x5e: {  	_ =	shalt  }
0x5f: {  	_ =	shalt  }
0x60: {  	_ =	shalt  }
0x61: {  	_ =	shalt  }
0x62: {  	_ =	shalt  }
0x63: {  	_ =	shalt  }
0x64: {  	_ =	shalt  }
0x65: {  	_ =	shalt  }
0x66: {  	_ =	shalt  }
0x67: {  	_ =	shalt  }
0x68: {  	_ =	shalt  }
0x69: {  	_ =	shalt  }
0x6a: {  	_ =	shalt  }
0x6b: {  	_ =	shalt  }
0x6c: {  	_ =	shalt  }
0x6d: {  	_ =	shalt  }
0x6e: {  	_ =	shalt  }
0x6f: {  	_ =	shalt  }
0x70: {  	_ =	shalt  }
0x71: {  	_ =	shalt  }
0x72: {  	_ =	shalt  }
0x73: {  	_ =	shalt  }
0x74: {  	_ =	shalt  }
0x75: {  	_ =	shalt  }
0x76: {  	_ =	shalt  }
0x77: {  	_ =	shalt  }
0x78: {  	_ =	shalt  }
0x79: {  	_ =	shalt  }
0x7a: {  	_ =	shalt  }
0x7b: {  	_ =	shalt  }
0x7c: {  	_ =	shalt  }
0x7d: {  	_ =	shalt  }
0x7e: {  	_ =	shalt  }
0x7f: {  	_ =	shalt  }
0x80: {  	_ =	shalt  }
0x81: {  	_ =	shalt  }
0x82: {  	_ =	shalt  }
0x83: {  	_ =	shalt  }
0x84: {  	_ =	shalt  }
0x85: {  	_ =	shalt  }
0x86: {  	_ =	shalt  }
0x87: {  	_ =	shalt  }
.Lfunc_end0:
.L_simem_size_0:
called_computation.1_lowered:
.L_overlay_start_0:
0x88: {  	s2 =	sld [smem:$0x3FD9]  }
0x89: {  	s3 =	sld [smem:$0x3FFE];
	_ =	sdelay $0x1  }
0x8a: {  	s1 =	srdreg.scid  }
0x8b: {  	s0 =	sand.u32 $0x1, s1  }
0x8c: {  	s17 =	sshll.u32 s0, $0xA;
	s2 =	sadd.s32 s3, s2  }
0x8d: {  	s2 =	sadd.s32 s2, s17  }
0x8e: {  	[smem:$0x3FC5] =	sst s2  }
0x8f: {  	_ = 	snop  }
0x90: {  	s2 =	sld [smem:$0x3FC9]  }
0x91: {  	s18 =	sld [smem:$0x3FD0];
	(tm) =	ssettm $0x1  }
0x92: {  	s4 =	sld [smem:$0x3FFB];
	_ =	sdelay $0x3  }
0x93: {  	_ =	strace s4  }
0x94: {  	s4 =	sld [smem:$0x3FFC];
	_ =	sdelay $0x3  }
0x95: {  	_ =	strace s4  }
0x96: {  	s4 =	sld [smem:$0x3FFD];
	_ =	sdelay $0x3  }
0x97: {  	_ =	strace s4  }
0x98: {  	_ =	strace $0x8FFFFFFF  }
0x99: {  	s19 =	sld [smem:$0x3FDB];
	_ =	sdelay $0x1  }
0x9a: {  	s5 =	simm.s32 $_scs_section_size  }
0x9b: {  	s6 =	simm.s32 $_size__tile_overlayer_lowered;
	s7 =	simm.s32 $_tile_overlayer_lowered  }
0x9c: {  	s22 =	simm.s32 $0x1BFF;
	s21 =	sshll.u32 s7, $0x1;
	s4 =	sadd.s32 s5, s19  }
0x9d: {  	s8 =	simm.s32 $0x0;
	s20 =	sshll.u32 s6, $0x1;
	s6 =	sadd.s32 s21, s4  }
0x9e: {  	[timem:s8], [sflag:s22] =	dma.local [hbm:s6], s20  }
0x9f: {  	_ =	swait.ge [sflag:s22], s20  }
0xa0: {  	s5 =	ssub.s32 $0x0, s20;
	[sflag:s22] =	ssyncset.done $0x0  }
0xa1: {  	[sflag:s22] =	ssyncadd.s32 s5;
	_ =	sdelay $0x1  }
0xa2: {  	s23 =	simm.s32 $0x1B8B  }
0xa3: {  	_ =	swait.ge [sflag:s23], $0x1  }
0xa4: {  	[sflag:s23] =	ssyncset.done $0x0  }
0xa5: {  	s25 =	simm.s32 $0x1B8E;
	s24 =	sld [smem:$0x3FFE];
	[sflag:s23] =	ssyncadd.s32 $0xFFFFFFFF  }
0xa6: {  	s26 =	simm.s32 $execute0_lowered;
	[smem:$0x3FD2] =	sst s25  }
0xa7: {  	s6 =	sshll.u32 s26, $0x1;
	_ =	strace $0x80000046;
	[dreg:$0x1] =	wrdreg $0xFFFFFFFF  }
0xa8: {  	s28 =	simm.s32 $_size_execute0_lowered;
	s4 =	sadd.s32 s4, s6;
	[dreg:$0x0] =	wrdreg $0x0  }
0xa9: {  	s6 =	sshll.u32 s28, $0x1;
	[dreg:$0x2] =	wrdreg s4  }
0xaa: {  	[dreg:$0x3] =	wrdreg s6  }
0xab: {  	[dreg:$0x4] =	wrdreg $0xC0  }
0xac: {  	_ =	task [dreg:s8], $0x5FFFF  }
0xad: {  	[dreg:$0x1] =	wrdreg $0xFFFFFFFF  }
0xae: {  	[dreg:$0x0] =	wrdreg $0x60  }
0xaf: {  	[dreg:$0x2] =	wrdreg s2  }
0xb0: {  	[dreg:$0x3] =	wrdreg s24  }
0xb1: {  	[dreg:$0x4] =	wrdreg s18  }
0xb2: {  	[dreg:$0x5] =	wrdreg $0x9  }
0xb3: {  	_ =	task.clear_ibuf [dreg:s8], $0x6FFFF;
	_ =	strace $0x90000046  }
0xb4: {  	s29 =	simm.s32 $0x9;
	_ =	strace $0x80000048  }
0xb5: {  	_ =	swait.ge [sflag:s29], $0x1  }
0xb6: {  	[sflag:s29] =	ssyncadd.s32 $0xFFFFFFFF  }
0xb7: {  	_ =	strace $0x90000048  }
0xb8: {  	_ =	sfence  }
0xb9: {  	s30 =	sld [smem:$0x0];
	_ =	sdelay $0x2  }
0xba: {  	s31 =	sshll.u32 s1, $0xD;
	s1 =	sshrl.u32 s1, $0x2  }
0xbb: {  	s3 =	sand.u32 $0x4000, s31;
	s1 =	sadd.s32 s1, s30  }
0xbc: {  	s0 =	sor.u32 s3, s0;
	s1 =	sshll.u32 s1, $0x11  }
0xbd: {  	s0 =	sor.u32 s1, s0  }
0xbe: {  	s0 =	sadd.s32 $0x8F2B, s0  }
0xbf: {  	[sflag:s0] =	ssyncadd.remote.s32 $0x1  }
0xc0: {  	_ =	sfence.sel $0xFFFF  }
0xc1: {  	[dreg:$0x0] =	wrdreg $0xFFFFFFFF;
	(pc) =	sbr.abs _section_cstart, $3  }
0xc2: {  	[dreg:$0x1] =	wrdreg $0xFFFFFFFF  }
0xc3: {  	_ =	task.clear_ibuf [dreg:s8], $0x2FFFF;
	_ =	strace $0x9FFFFFFF  }
0xc4: {  	(tm) =	ssettm $0x7FFFFFFF  }
0xc5: {  	_ =	shalt  }
tec
execute0_lowered:
.L_overlay_start_1:
0x0: {  	(tag) =	ssettag $0x1  }
0x1: {  	s6 =	rddreg [dreg:$0x0]  }
0x2: {  	s5 =	rddreg [dreg:$0x1]  }
0x3: {  	s2 =	rddreg [dreg:$0x2]  }
0x4: {  	s0 =	rddreg [dreg:$0x3]  }
0x5: {  	s4 =	srdreg.scid;
	s1 =	stileid.u32  }
0x6: {  	s3 =	simm.s32 $0x0;
	s11 =	simm.s32 $0x6400;
	s12 =	simm.s32 $0x1  }
0x7: {  	s13 =	simm.s32 $0x7400;
	s14 =	simm.s32 $0x0;
	s4 =	sand.u32 $0x1, s4  }
0x8: {  	s7 =	sshll.u32 s1, $0x1;
	[smem:$0x7FF] =	sst s3;
	s8 =	ssub.s32 $0x2, s4  }
0x9: {  	s7 =	sor.u32 s4, s7;
	_ =	strace $0x80000047;
	s4 =	sadd.s32 $0xF42C00, s5  }
0xa: {  	s5 =	sadd.s32 $0x1313600, s5;
	s9 =	sshrl.u32 s8, $0x1;
	s10 =	smul.u32 $0xC80, s7  }
0xb: {  	s7 =	smul.u32 $0xC8000, s7;
	s8 =	ssub.s32 s8, s9;
	s9 =	simm.s32 $0x2  }
0xc: {  	s6 =	sadd.s32 s6, s10;
	s8 =	smax.u32 s8, $0x1;
	s10 =	simm.s32 $0x80  }
.LBB2_1:
0xd: {  	[tilespmem:s3], [sflag:$0x2] =	stream.linear.gather [hbm4b:s6+s3], $0x6400, $0x38;
	[tilespmem:$0x8400] =	vst v63  }
0xe: {  	_ =	swait.ge [sflag:s9], $0x6400  }
0xf: {  	[sflag:s9] =	ssyncset.done $0x0  }
0x10: {  	s15 =	simm.s32 $0x0;
	[sflag:s9] =	ssyncadd.s32 $0xFFFF9C00  }
.LBB2_2:
0x11: {  	s16 =	sshll.u32 s15, $0x7  }
0x12: {  	s16 =	sand.u32 $0x3FFFFF80, s16  }
0x13: {  	[tilespmem:s11], [sflag:$0x1] =	stream.indirect.gather [hbm4b:s4+s10], $0x20, s16, s10, $0xb8;
	[tilespmem:$0x8400] =	vst v63  }
0x14: {  	_ =	swait.ge [sflag:s12], $0x1000  }
0x15: {  	[sflag:s12] =	ssyncset.done $0x0  }
0x16: {  	[sflag:s12] =	ssyncadd.s32 $0xFFFFF000  }
0x17: {  	[tilespmem:s13], [sflag:$0x1] =	stream.indirect.gather [hbm4b:s5+s10], $0x20, s16, s10, $0xb8;
	[tilespmem:$0x8400] =	vst v63  }
0x18: {  	_ =	swait.ge [sflag:s12], $0x1000  }
0x19: {  	[sflag:s12] =	ssyncset.done $0x0  }
0x1a: {  	s16 =	simm.s32 $0x6420;
	[sflag:s12] =	ssyncadd.s32 $0xFFFFF000  }
0x1b: {  	s17 =	simm.s32 $0x7420;
	v0 =	vld [tilespmem:s16+$0xFFFFFFE0]  }
0x1c: {  	v1 =	vld [tilespmem:s17+$0xFFFFFFE0];
	_ =	sdelay $0x4  }
0x1d: {  	v0 =	vadd.f32 v1, v0;
	_ =	sdelay $0x1  }
0x1e: {  	[tilespmem:s16+$0xFFFFFFE0] =	vst v0;
	v0 =	vld [tilespmem:s16+$0xFFFFFFF0]  }
0x1f: {  	v1 =	vld [tilespmem:s17+$0xFFFFFFF0];
	_ =	sdelay $0x4  }
0x20: {  	v0 =	vadd.f32 v1, v0;
	_ =	sdelay $0x1  }
0x21: {  	[tilespmem:s16+$0xFFFFFFF0] =	vst v0;
	v0 =	vld [tilespmem:s16+$0x0]  }
0x22: {  	v1 =	vld [tilespmem:s17+$0x0];
	_ =	sdelay $0x4  }
0x23: {  	v0 =	vadd.f32 v1, v0;
	_ =	sdelay $0x1  }
0x24: {  	[tilespmem:s16+$0x0] =	vst v0;
	v0 =	vld [tilespmem:s16+$0x10]  }
0x25: {  	v1 =	vld [tilespmem:s17+$0x10];
	_ =	sdelay $0x4  }
0x26: {  	v0 =	vadd.f32 v1, v0  }
0x27: {  	s18 =	simm.s32 $0x0;
	s19 =	simm.s32 $0x6460  }
.LBB2_3:
0x28: {  	v1 =	vld [tilespmem:s19+$0xFFFFFFE0];
	[tilespmem:s16+$0x10] =	vst v0;
	s17 =	sadd.s32 $0x40, s17;
	s16 =	smov.u32 s19  }
0x29: {  	s18 =	sadd.s32 $0x2, s18;
	v0 =	vld [tilespmem:s17+$0xFFFFFFE0]  }
0x2a: {  	p0 =	slt.u32 s18, $0x7E;
	_ =	sdelay $0x3  }
0x2b: {  	v0 =	vadd.f32 v0, v1;
	_ =	sdelay $0x1  }
0x2c: {  	[tilespmem:s19+$0xFFFFFFE0] =	vst v0;
	v0 =	vld [tilespmem:s19+$0xFFFFFFF0]  }
0x2d: {  	v1 =	vld [tilespmem:s17+$0xFFFFFFF0];
	_ =	sdelay $0x4  }
0x2e: {  	v0 =	vadd.f32 v1, v0;
	_ =	sdelay $0x1  }
0x2f: {  	[tilespmem:s19+$0xFFFFFFF0] =	vst v0;
	v0 =	vld [tilespmem:s19+$0x0]  }
0x30: {  	v1 =	vld [tilespmem:s17+$0x0];
	_ =	sdelay $0x4  }
0x31: {  	v0 =	vadd.f32 v1, v0;
	_ =	sdelay $0x1  }
0x32: {  	[tilespmem:s19+$0x0] =	vst v0;
	v0 =	vld [tilespmem:s19+$0x10]  }
0x33: {  	v1 =	vld [tilespmem:s17+$0x10];
	_ =	sdelay $0x1  }
.Ltmp0:
0x34: {  	(pc) =	sbr.rel @p0 .LBB2_3-.Ltmp0, $3  }
0x35: {  	_ =	sdelay $0x1  }
0x36: {  	v0 =	vadd.f32 v1, v0  }
0x37: {  	s19 =	sadd.s32 $0x40, s19  }
0x38: {  	s17 =	sshll.u32 s15, $0xC  }
0x39: {  	s15 =	sadd.s32 $0x1, s15;
	s17 =	sadd.s32 s7, s17  }
0x3a: {  	p0 =	sne.s32 s15, $0xC8;
	s17 =	sshrl.u32 s17, $0x3  }
.Ltmp1:
0x3b: {  	[tilespmem:s16+$0x10] =	vst v0;
	s31 =	sadd.s32 s2, s17;
	(pc) =	sbr.rel @p0 .LBB2_2-.Ltmp1, $4  }
0x3c: {  	[hbm4b:s31+s3] =	stream.linear.scatter [tilespmem:s11], [sflag:$0x2], $0x1000, $0x38;
	[tilespmem:$0x8400] =	vst v63  }
0x3d: {  	_ =	swait.ge [sflag:s9], $0x1000  }
0x3e: {  	[sflag:s9] =	ssyncset.done $0x0  }
0x3f: {  	[sflag:s9] =	ssyncadd.s32 $0xFFFFF000  }
0x40: {  	s14 =	sadd.s32 $0x1, s14  }
0x41: {  	p0 =	sne.s32 s14, s8  }
.Ltmp2:
0x42: {  	_ = 	snop;
	(pc) =	sbr.rel @p0 .LBB2_1-.Ltmp2, $1  }
0x43: {  	_ =	sdelay $0x3  }
0x44: {  	_ =	sfence.sel $0x180000  }
0x45: {  	[bflag:$0x0] =	sbarrier.arrive $0xFFFF  }
0x46: {  	p0 =	sne.s32 s1, $0x0;
	_ =	strace $0x90000047  }
0x47: {  	s0 =	sadd.s32 @!p0 $0x100000, s0;
	[bflag:$0x2] =	sbarrier.arrive $0xFFFF  }
0x48: {  	[sflag:s0] =	ssyncadd.tile.s32 @!p0 $0x1;
	_ =	shalt  }
.Lfunc_end2:
_tile_overlayer_lowered:
.L_overlay_start_2:
0x49: {  	(tag) =	ssettag $0x2  }
0x4a: {  	s0 =	rddreg [dreg:$0x0];
	s2 =	stileid.u32  }
0x4b: {  	s1 =	rddreg [dreg:$0x1];
	p0 =	sne.s32 s2, $0x0  }
0x4c: {  	s3 =	rddreg [dreg:$0x2];
	[bflag:$0x3] =	sbarrier.arrive $0xFFFF;
	s2 =	simm.s32 @!p0 $0x1C02  }
0x4d: {  	[timem:s3], [sflag:s2] =	dma.local @!p0 [hbm:s0], s1  }
0x4e: {  	s0 =	simm.s32 @!p0 $0x2  }
0x4f: {  	_ =	swait.ge @!p0 [sflag:s0], s1  }
0x50: {  	s1 =	ssub.s32 @!p0 $0x0, s1;
	[sflag:s0] =	ssyncset.done @!p0 $0x0  }
0x51: {  	[sflag:s0] =	ssyncadd.s32 @!p0 s1  }
0x52: {  	[bflag:$0x3] =	sbarrier.arrive $0xFFFF  }
0x53: {  	_ =	shalt  }

// kernel: sparse-core-data-format-call.cloned.1.call-start
scs
called_computation_lowered:
.L_overlay_start_0:
0x0: {  	s2 =	sld [smem:$0x3FD9]  }
0x1: {  	s3 =	sld [smem:$0x3FFE];
	_ =	sdelay $0x1  }
0x2: {  	s1 =	srdreg.scid  }
0x3: {  	s0 =	sand.u32 $0x1, s1  }
0x4: {  	s18 =	sshll.u32 s0, $0xA;
	s2 =	sadd.s32 s3, s2  }
0x5: {  	s2 =	sadd.s32 s2, s18  }
0x6: {  	[smem:$0x3FC5] =	sst s2  }
0x7: {  	_ = 	snop  }
0x8: {  	s2 =	sld [smem:$0x3FD0];
	(tm) =	ssettm $0x1  }
0x9: {  	s19 =	sld [smem:$0x3FFB];
	_ =	sdelay $0x3  }
0xa: {  	_ =	strace s19  }
0xb: {  	s3 =	sld [smem:$0x3FFC];
	_ =	sdelay $0x3  }
0xc: {  	_ =	strace s3  }
0xd: {  	s3 =	sld [smem:$0x3FFD];
	_ =	sdelay $0x3  }
0xe: {  	_ =	strace s3  }
0xf: {  	_ =	strace $0x8FFFFFFF  }
0x10: {  	s20 =	sld [smem:$0x3FDB];
	_ =	sdelay $0x1  }
0x11: {  	s4 =	simm.s32 $_scs_section_size  }
0x12: {  	s5 =	simm.s32 $_size__tile_overlayer_lowered;
	s6 =	simm.s32 $_tile_overlayer_lowered  }
0x13: {  	s23 =	simm.s32 $0x1BFF;
	s22 =	sshll.u32 s6, $0x1;
	s3 =	sadd.s32 s4, s20  }
0x14: {  	s7 =	simm.s32 $0x0;
	s21 =	sshll.u32 s5, $0x1;
	s5 =	sadd.s32 s22, s3  }
0x15: {  	[timem:s7], [sflag:s23] =	dma.local [hbm:s5], s21  }
0x16: {  	_ =	swait.ge [sflag:s23], s21  }
0x17: {  	s4 =	ssub.s32 $0x0, s21;
	[sflag:s23] =	ssyncset.done $0x0  }
0x18: {  	[sflag:s23] =	ssyncadd.s32 s4;
	_ =	sdelay $0x1  }
0x19: {  	s24 =	simm.s32 $0x1B8B  }
0x1a: {  	_ =	swait.ge [sflag:s24], $0x1  }
0x1b: {  	[sflag:s24] =	ssyncset.done $0x0  }
0x1c: {  	s26 =	simm.s32 $0x1B8E;
	s25 =	sld [smem:$0x3FFE];
	[sflag:s24] =	ssyncadd.s32 $0xFFFFFFFF  }
0x1d: {  	s27 =	simm.s32 $execute0_lowered;
	[smem:$0x3FD2] =	sst s26  }
0x1e: {  	s5 =	sshll.u32 s27, $0x1;
	_ =	strace $0x80000049;
	[dreg:$0x1] =	wrdreg $0xFFFFFFFF  }
0x1f: {  	s28 =	simm.s32 $_size_execute0_lowered;
	s3 =	sadd.s32 s3, s5;
	[dreg:$0x0] =	wrdreg $0x0  }
0x20: {  	s5 =	sshll.u32 s28, $0x1;
	[dreg:$0x2] =	wrdreg s3  }
0x21: {  	[dreg:$0x3] =	wrdreg s5  }
0x22: {  	[dreg:$0x4] =	wrdreg $0xC0  }
0x23: {  	_ =	task [dreg:s7], $0x5FFFF  }
0x24: {  	[dreg:$0x1] =	wrdreg $0xFFFFFFFF  }
0x25: {  	[dreg:$0x0] =	wrdreg $0x60  }
0x26: {  	[dreg:$0x2] =	wrdreg s25  }
0x27: {  	[dreg:$0x3] =	wrdreg s2  }
0x28: {  	[dreg:$0x4] =	wrdreg $0x9  }
0x29: {  	_ =	task.clear_ibuf [dreg:s7], $0x5FFFF;
	_ =	strace $0x90000049  }
0x2a: {  	s29 =	simm.s32 $0x9;
	_ =	strace $0x8000004B  }
0x2b: {  	_ =	swait.ge [sflag:s29], $0x1  }
0x2c: {  	[sflag:s29] =	ssyncadd.s32 $0xFFFFFFFF  }
0x2d: {  	_ =	strace $0x9000004B  }
0x2e: {  	_ =	sfence  }
0x2f: {  	s30 =	sld [smem:$0x0];
	_ =	sdelay $0x2  }
0x30: {  	s31 =	sshll.u32 s1, $0xD;
	s1 =	sshrl.u32 s1, $0x2  }
0x31: {  	s3 =	sand.u32 $0x4000, s31;
	s1 =	sadd.s32 s1, s30  }
0x32: {  	s0 =	sor.u32 s3, s0;
	s1 =	sshll.u32 s1, $0x11  }
0x33: {  	s0 =	sor.u32 s1, s0  }
0x34: {  	s0 =	sadd.s32 $0x8F2B, s0  }
0x35: {  	[sflag:s0] =	ssyncadd.remote.s32 $0x1  }
0x36: {  	_ =	sfence.sel $0xFFFF  }
0x37: {  	[dreg:$0x0] =	wrdreg $0xFFFFFFFF;
	(pc) =	sbr.abs _section_cstart, $3  }
0x38: {  	[dreg:$0x1] =	wrdreg $0xFFFFFFFF  }
0x39: {  	_ =	task.clear_ibuf [dreg:s7], $0x2FFFF;
	_ =	strace $0x9FFFFFFF  }
0x3a: {  	(tm) =	ssettm $0x7FFFFFFF  }
0x3b: {  	_ =	shalt  }
tec
execute0_lowered:
.L_overlay_start_1:
0x0: {  	(tag) =	ssettag $0x1  }
0x1: {  	s4 =	rddreg [dreg:$0x0]  }
0x2: {  	s2 =	rddreg [dreg:$0x1]  }
0x3: {  	s0 =	rddreg [dreg:$0x2];
	_ =	strace $0x8000004A  }
0x4: {  	s3 =	srdreg.scid;
	s1 =	stileid.u32;
	s6 =	simm.s32 $0x2  }
.Ltmp0:
0x5: {  	p0 =	por $0x0, $0x0;
	s10 =	simm.s32 $0x0;
	(pc) =	sbr.rel .LBB1_1-.Ltmp0, $4  }
0x6: {  	s11 =	simm.s32 $0x0;
	s8 =	simm.s32 $0x0;
	s5 =	sshll.u32 s3, $0x4  }
0x7: {  	s7 =	simm.s32 $0x0;
	s3 =	simm.s32 $0x1;
	s5 =	sand.u32 $0x10, s5  }
0x8: {  	s4 =	sadd.s32 $0x800, s4;
	[sflag:s3] =	ssyncpa.u1 $0x0;
	s5 =	sor.u32 s1, s5  }
0x9: {  	[sflag:s6] =	ssyncpa.u1 $0x0;
	s6 =	simm.s32 $0x0;
	s9 =	smov.u32 s5  }
.LBB1_7:
0xa: {  	s12 =	sadd.s32 $0x4, s8  }
0xb: {  	s10 =	sadd.s32 $0x20, s9;
	s14 =	smov.u32 s9;
	p2 =	sgt.s32 s12, $0xC7  }
0xc: {  	p1 =	slt.u32 s7, $0x2;
	s14 =	smov.u32 @p2 s10  }
0xd: {  	s7 =	sadd.s32 $0x1, s7;
	s12 =	simm.s32 @p2 $0x0;
	p2 =	sgt.s32 s14, $0x1F  }
0xe: {  	s14 =	smov.u32 @p2 s5;
	p2 =	sne.s32 s7, $0x34  }
.Ltmp1:
0xf: {  	_ = 	snop;
	(pc) =	sbr.rel @!p2 .LBB1_8-.Ltmp1, $4  }
0x10: {  	s13 =	simm.s32 @!p1 $0x2  }
0x11: {  	s11 =	smov.u32 s9;
	_ =	swait.ge @!p1 [sflag:s13], $0x4000  }
0x12: {  	p0 =	por !p0, !p0;
	s10 =	smov.u32 s8;
	[sflag:s13] =	ssyncset.done @!p1 $0x0  }
0x13: {  	s8 =	smov.u32 s12;
	[sflag:s13] =	ssyncadd.s32 @!p1 $0xFFFFC000;
	s9 =	smov.u32 s14  }
.LBB1_1:
0x14: {  	p1 =	sgt.u32 s7, $0x31  }
0x15: {  	s13 =	smul.u32 @!p1 $0x64000, s9  }
0x16: {  	s12 =	sxor.u32 @!p1 $0xFFFFFFFF, s7;
	s14 =	sshll.u32 @!p1 s8, $0xB  }
0x17: {  	s15 =	simm.s32 @!p1 $0x80;
	s12 =	sshll.u32 @!p1 s12, $0xE;
	s13 =	sadd.s32 @!p1 s4, s13  }
0x18: {  	s12 =	sand.u32 @!p1 $0x4000, s12;
	s13 =	sadd.s32 @!p1 s14, s13;
	s14 =	simm.s32 @!p1 $0x20  }
0x19: {  	[tilespmem:s12], [sflag:$0x1] =	stream.strided.gather @!p1 [hbm4b:s13+s14], $0x4000, s15, s14, $0x38;
	[tilespmem:$0x10100] =	vst v63  }
0x1a: {  	p1 =	seq.s32 s7, $0x0  }
0x1b: {  	p2 =	seq.s32 @!p1 s7, $0x33  }
0x1c: {  	p1 =	por p1, p2  }
.Ltmp2:
0x1d: {  	_ = 	snop;
	(pc) =	sbr.rel @p1 .LBB1_7-.Ltmp2, $1  }
0x1e: {  	_ =	sdelay $0x3  }
0x1f: {  	s13 =	simm.s32 $0x1;
	s14 =	sand.u32 $0x1, s7  }
0x20: {  	_ =	swait.ge [sflag:s3], $0x4000;
	s13 =	simm.s32 @!p0 $0x0;
	s15 =	smul.u32 $0x10200, s14  }
0x21: {  	[sflag:s3] =	ssyncset.done $0x0;
	s12 =	smul.u32 $0x10200, s13  }
0x22: {  	s13 =	sshll.u32 s13, $0xE;
	[sflag:s3] =	ssyncadd.s32 $0xFFFFC000  }
0x23: {  	s14 =	sor.u32 $0x10, s13;
	s31 =	sshrl.u32 s15, $0x2;
	s12 =	sshrl.u32 s12, $0x2  }
0x24: {  	s15 =	simm.s32 $0x0;
	s13 =	sor.u32 $0x8000, s31;
	s12 =	sor.u32 $0x8000, s12  }
.LBB1_3:
0x25: {  	v1 =	vld [tilespmem:s14+$0x0]  }
0x26: {  	v0 =	vld [tilespmem:s14+$0xFFFFFFF0];
	_ =	sdelay $0x2  }
0x27: {  	s18 =	sadd.s32 $0x0, s12  }
0x28: {  	s16 =	simm.s32 $0x4;
	s17 =	sadd.s32 $0x20, s14;
	[tilespmem:s18+$0x810 ss:$0x81] =	vst.msk $0xffff, v1  }
.LBB1_4:
0x29: {  	v1 =	vld [tilespmem:s17+$0x0];
	p1 =	sne.s32 s16, $0x1FC;
	[tilespmem:s18+$0x0 ss:$0x81] =	vst.msk $0xffff, v0;
	s18 =	smov.u32 s16;
	s16 =	sadd.s32 $0x4, s16  }
.Ltmp3:
0x2a: {  	v0 =	vld [tilespmem:s17+$0xFFFFFFF0];
	(pc) =	sbr.rel @p1 .LBB1_4-.Ltmp3, $4  }
0x2b: {  	_ = 	snop  }
0x2c: {  	s18 =	sshra.s32 s18, $0x2  }
0x2d: {  	s18 =	sadd.s32 s18, s12  }
0x2e: {  	s17 =	sadd.s32 $0x20, s17;
	[tilespmem:s18+$0x810 ss:$0x81] =	vst.msk $0xffff, v1  }
0x2f: {  	s15 =	sadd.s32 $0x1, s15  }
0x30: {  	p1 =	sne.s32 s15, $0x4  }
.Ltmp4:
0x31: {  	_ = 	snop;
	(pc) =	sbr.rel @p1 .LBB1_3-.Ltmp4, $2  }
0x32: {  	_ =	sdelay $0x2  }
0x33: {  	[tilespmem:s18+$0x0 ss:$0x81] =	vst.msk $0xffff, v0;
	s12 =	sadd.s32 $0x1020, s12;
	s14 =	sadd.s32 $0x1000, s14  }
0x34: {  	s11 =	smul.u32 $0x19000, s11  }
.Ltmp5:
0x35: {  	_ = 	snop;
	(pc) =	sbr.rel .LBB1_7-.Ltmp5, $4  }
0x36: {  	_ = 	snop  }
0x37: {  	s10 =	sshll.u32 s10, $0x9;
	s11 =	sadd.s32 s2, s11  }
0x38: {  	s10 =	sadd.s32 s10, s11  }
0x39: {  	[hbm4b:s10+s6] =	stream.linear.scatter [tilespmem:s13], [sflag:$0x2], $0x4000, $0x20;
	[tilespmem:$0x10100] =	vst v63  }
.LBB1_8:
0x3a: {  	_ =	sfence.sel $0x180000  }
0x3b: {  	s2 =	simm.s32 $0x1;
	[bflag:$0x0] =	sbarrier.arrive $0xFFFF  }
0x3c: {  	s31 =	simm.s32 $0x2;
	[sflag:s2] =	ssyncpa.u1 $0x1  }
0x3d: {  	[sflag:s31] =	ssyncpa.u1 $0x1  }
0x3e: {  	p0 =	sne.s32 s1, $0x0;
	_ =	strace $0x9000004A  }
0x3f: {  	s0 =	sadd.s32 @!p0 $0x100000, s0;
	[bflag:$0x2] =	sbarrier.arrive $0xFFFF  }
0x40: {  	[sflag:s0] =	ssyncadd.tile.s32 @!p0 $0x1;
	_ =	shalt  }
.Lfunc_end1:
_tile_overlayer_lowered:
.L_overlay_start_2:
0x41: {  	(tag) =	ssettag $0x2  }
0x42: {  	s0 =	rddreg [dreg:$0x0];
	s2 =	stileid.u32  }
0x43: {  	s1 =	rddreg [dreg:$0x1];
	p0 =	sne.s32 s2, $0x0  }
0x44: {  	s3 =	rddreg [dreg:$0x2];
	[bflag:$0x3] =	sbarrier.arrive $0xFFFF;
	s2 =	simm.s32 @!p0 $0x1C01  }
0x45: {  	[timem:s3], [sflag:s2] =	dma.local @!p0 [hbm:s0], s1  }
0x46: {  	s0 =	simm.s32 @!p0 $0x1  }
0x47: {  	_ =	swait.ge @!p0 [sflag:s0], s1  }
0x48: {  	s1 =	ssub.s32 @!p0 $0x0, s1;
	[sflag:s0] =	ssyncset.done @!p0 $0x0  }
0x49: {  	[sflag:s0] =	ssyncadd.s32 @!p0 s1  }
0x4a: {  	[bflag:$0x3] =	sbarrier.arrive $0xFFFF  }
0x4b: {  	_ =	shalt  }

</sc_bundles>
